<compile_context>
chip_gen: v7x
topology: tpu7x:2x2x1
jax: 0.10.2.dev20260603
libtpu: 0.0.44.dev20260713+nightly
codegen_flags: <defaults>
</compile_context>

<pallas_src>
import functools

import jax
import jax.numpy as jnp
from jax import lax
from jax.experimental import pallas as pl
from jax.experimental.pallas import tpu as pltpu
from jax.experimental.pallas import tpu_sc as plsc

N_NODES_IN = 100000
N_FEATS = 9
CB_ROWS = 334
MODEL_DIM = 128

L = 16
NUM_CORES = 2
NUM_SUBCORES = 16
NUM_WORKERS = NUM_CORES * NUM_SUBCORES

PER_WORKER = 3128
N_PAD = NUM_WORKERS * PER_WORKER
CHUNK = 136
NUM_CHUNKS = PER_WORKER // CHUNK

_mesh = plsc.VectorSubcoreMesh(core_axis_name="c", subcore_axis_name="s")


@functools.partial(
    pl.kernel,
    mesh=_mesh,
    compiler_params=pltpu.CompilerParams(needs_layout_passes=False),
    out_type=jax.ShapeDtypeStruct((N_PAD * MODEL_DIM,), jnp.float32),
    scratch_types=[
        pltpu.VMEM((CB_ROWS * MODEL_DIM,), jnp.float32),
        pltpu.VMEM((CHUNK * N_FEATS + L,), jnp.int32),
        pltpu.VMEM((CHUNK * MODEL_DIM,), jnp.float32),
    ],
)
def _embed_sum(idx_hbm, cb_hbm, out_hbm, cb_v, idx_v, out_v):
    wid = lax.axis_index("s") * NUM_CORES + lax.axis_index("c")
    base = wid * PER_WORKER

    pltpu.sync_copy(cb_hbm, cb_v)

    cols = [jnp.arange(L, dtype=jnp.int32) + (db * L) for db in range(MODEL_DIM // L)]

    def chunk_body(c, carry):
        cbase = base + c * CHUNK
        pltpu.sync_copy(
            idx_hbm.at[pl.ds(cbase * N_FEATS, CHUNK * N_FEATS)],
            idx_v.at[pl.ds(0, CHUNK * N_FEATS)],
        )

        def node_body(n, carry2):
            idx_vec = idx_v[pl.ds(n * N_FEATS, L)]
            rows = [
                jnp.full((L,), idx_vec[j], jnp.int32) * MODEL_DIM
                for j in range(N_FEATS)
            ]
            for db in range(MODEL_DIM // L):
                col = cols[db]
                g = [
                    plsc.load_gather(cb_v, [rows[j] + col])
                    for j in range(N_FEATS)
                ]
                s01 = g[0] + g[1]
                s23 = g[2] + g[3]
                s45 = g[4] + g[5]
                s67 = g[6] + g[7]
                acc = (s01 + s23) + (s45 + s67) + g[8]
                out_v[pl.ds(n * MODEL_DIM + db * L, L)] = acc
            return carry2

        lax.fori_loop(0, CHUNK, node_body, 0)
        pltpu.sync_copy(out_v, out_hbm.at[pl.ds(cbase * MODEL_DIM, CHUNK * MODEL_DIM)])
        return carry

    lax.fori_loop(0, NUM_CHUNKS, chunk_body, 0)


def kernel(node_features, codebook):
    nf = node_features.astype(jnp.int32)
    nf = jnp.pad(nf, ((0, N_PAD - N_NODES_IN), (0, 0)))
    out = _embed_sum(nf.reshape(-1), codebook.reshape(-1))
    return out.reshape(N_PAD, MODEL_DIM)[:N_NODES_IN]

# --- scband reference (transcript-rebuilt; emitter-appended) ---
"""Pipeline reference for scband-embed-pcqm4-mv2-node-features-38500086842091 (READ-ONLY COPY).

The authoritative reference and input builder live on the scoring server;
editing this copy changes nothing except your own understanding.
"""

import jax, jax.numpy as jnp
import numpy as np

MODEL_DIM = 128
CODEBOOK_LENGTH = 334
N_NODES = 100000
N_FEATS = 9


def setup_inputs(seed: int = 0) -> dict:
    key = jax.random.key(seed)
    k_idx, k_cb = jax.random.split(key)
    node_features = jax.random.randint(k_idx, (N_NODES, N_FEATS), 0, CODEBOOK_LENGTH, dtype=jnp.int64 if jax.config.jax_enable_x64 else jnp.int32)
    codebook = jax.random.normal(k_cb, (CODEBOOK_LENGTH, MODEL_DIM), dtype=jnp.float32)
    return {"node_features": node_features, "codebook": codebook}


def reference(node_features, codebook):
    # codebook.weight[node_features.long()] -> gather rows, shape [N, F, D]
    gathered = jnp.take(codebook, node_features.astype(jnp.int32), axis=0)
    # .float().sum(dim=-2) -> sum over feature axis
    return gathered.astype(jnp.float32).sum(axis=-2)

if __name__ == "__main__":
    import jax
    _d = setup_inputs()
    print(jax.jit(kernel)(*tuple(_d.values())))

</pallas_src>

<mosaic_0001>
#map = affine_map<(d0, d1) -> (0)>
module attributes {stable_mosaic.version = 14 : i64} {
  func.func @_embed_sum(%arg0: i32, %arg1: i32, %arg2: memref<900864xi32, #tpu.memory_space<hbm>>, %arg3: memref<42752xf32, #tpu.memory_space<hbm>>, %arg4: memref<12812288xf32, #tpu.memory_space<hbm>>, %arg5: memref<42752xf32, #tpu.memory_space<vmem>>, %arg6: memref<1240xi32, #tpu.memory_space<vmem>>, %arg7: memref<17408xf32, #tpu.memory_space<vmem>>) attributes {dimension_semantics = [#tpu.dimension_semantics<core_parallel>, #tpu.dimension_semantics<subcore_parallel>], iteration_bounds = array<i64: 2, 16>, scalar_prefetch = 0 : i64, scratch_operands = 3 : i64, tpu.core_type = #tpu.core_type<sc_vector_subcore>, window_params = [{transform_indices = #map}, {transform_indices = #map}, {transform_indices = #map}]} {
    %mul3A = arith.constant 2 : i32
    %mul3A_0 = arith.muli %arg1, %mul3A : i32
    %add3A = arith.addi %mul3A_0, %arg0 : i32
    %mul3A_1 = arith.constant 3128 : i32
    %mul3A_2 = arith.muli %add3A, %mul3A_1 : i32
    "tpu.region"() ({
      %run_scoped3A = tpu.sem_alloc : memref<!tpu.dma_semaphore, #tpu.memory_space<semaphore_mem>>
      tpu.enqueue_dma source(%arg3 : memref<42752xf32, #tpu.memory_space<hbm>>) target(%arg5 : memref<42752xf32, #tpu.memory_space<vmem>>) target_semaphore(%run_scoped3A : memref<!tpu.dma_semaphore, #tpu.memory_space<semaphore_mem>>)
      tpu.wait_dma2 semaphore(%run_scoped3A : memref<!tpu.dma_semaphore, #tpu.memory_space<semaphore_mem>>) src(%arg3 : memref<42752xf32, #tpu.memory_space<hbm>>) dst(%arg5 : memref<42752xf32, #tpu.memory_space<vmem>>)
      tpu.yield
    }) : () -> ()
    %iota3A = tpu.iota {dimensions = array<i32: 0>} : vector<16xi32>
    %add3A_3 = arith.constant 0 : i32
    %add3A_4 = vector.broadcast %add3A_3 : i32 to vector<16xi32>
    %add3A_5 = arith.addi %iota3A, %add3A_4 : vector<16xi32>
    %iota3A_6 = tpu.iota {dimensions = array<i32: 0>} : vector<16xi32>
    %add3A_7 = arith.constant 16 : i32
    %add3A_8 = vector.broadcast %add3A_7 : i32 to vector<16xi32>
    %add3A_9 = arith.addi %iota3A_6, %add3A_8 : vector<16xi32>
    %iota3A_10 = tpu.iota {dimensions = array<i32: 0>} : vector<16xi32>
    %add3A_11 = arith.constant 32 : i32
    %add3A_12 = vector.broadcast %add3A_11 : i32 to vector<16xi32>
    %add3A_13 = arith.addi %iota3A_10, %add3A_12 : vector<16xi32>
    %iota3A_14 = tpu.iota {dimensions = array<i32: 0>} : vector<16xi32>
    %add3A_15 = arith.constant 48 : i32
    %add3A_16 = vector.broadcast %add3A_15 : i32 to vector<16xi32>
    %add3A_17 = arith.addi %iota3A_14, %add3A_16 : vector<16xi32>
    %iota3A_18 = tpu.iota {dimensions = array<i32: 0>} : vector<16xi32>
    %add3A_19 = arith.constant 64 : i32
    %add3A_20 = vector.broadcast %add3A_19 : i32 to vector<16xi32>
    %add3A_21 = arith.addi %iota3A_18, %add3A_20 : vector<16xi32>
    %iota3A_22 = tpu.iota {dimensions = array<i32: 0>} : vector<16xi32>
    %add3A_23 = arith.constant 80 : i32
    %add3A_24 = vector.broadcast %add3A_23 : i32 to vector<16xi32>
    %add3A_25 = arith.addi %iota3A_22, %add3A_24 : vector<16xi32>
    %iota3A_26 = tpu.iota {dimensions = array<i32: 0>} : vector<16xi32>
    %add3A_27 = arith.constant 96 : i32
    %add3A_28 = vector.broadcast %add3A_27 : i32 to vector<16xi32>
    %add3A_29 = arith.addi %iota3A_26, %add3A_28 : vector<16xi32>
    %iota3A_30 = tpu.iota {dimensions = array<i32: 0>} : vector<16xi32>
    %add3A_31 = arith.constant 112 : i32
    %add3A_32 = vector.broadcast %add3A_31 : i32 to vector<16xi32>
    %add3A_33 = arith.addi %iota3A_30, %add3A_32 : vector<16xi32>
    %scan3A = arith.constant 0 : i32
    %scan3A_34 = arith.constant 0 : i32
    %scan3A_35 = arith.constant 23 : i32
    %scan3A_36 = arith.addi %scan3A_34, %scan3A_35 : i32
    %scan3A_37 = arith.constant 1 : i32
    scf.for %scan3A_39 = %scan3A_34 to %scan3A_36 step %scan3A_37  : i32 {
      %mul3A_40 = arith.constant 136 : i32
      %mul3A_41 = arith.muli %scan3A_39, %mul3A_40 : i32
      %add3A_42 = arith.addi %mul3A_2, %mul3A_41 : i32
      %mul3A_43 = arith.constant 9 : i32
      %mul3A_44 = arith.muli %add3A_42, %mul3A_43 : i32
      "tpu.region"() ({
        %run_scoped3A = tpu.sem_alloc : memref<!tpu.dma_semaphore, #tpu.memory_space<semaphore_mem>>
        %dma_start3A = arith.constant 0 : i32
        %dma_start3A_53 = tpu.memref_slice %arg6[%dma_start3A] : memref<1240xi32, #tpu.memory_space<vmem>> -> memref<1224xi32, #tpu.memory_space<vmem>>
        %dma_start3A_54 = tpu.memref_slice %arg2[%mul3A_44] : memref<900864xi32, #tpu.memory_space<hbm>> -> memref<1224xi32, #tpu.memory_space<hbm>>
        %dma_start3A_55 = arith.constant 0 : i32
        %dma_start3A_56 = tpu.memref_slice %arg6[%dma_start3A_55] : memref<1240xi32, #tpu.memory_space<vmem>> -> memref<1224xi32, #tpu.memory_space<vmem>>
        %dma_start3A_57 = tpu.memref_slice %arg2[%mul3A_44] : memref<900864xi32, #tpu.memory_space<hbm>> -> memref<1224xi32, #tpu.memory_space<hbm>>
        tpu.enqueue_dma source(%dma_start3A_57 : memref<1224xi32, #tpu.memory_space<hbm>>) target(%dma_start3A_56 : memref<1224xi32, #tpu.memory_space<vmem>>) target_semaphore(%run_scoped3A : memref<!tpu.dma_semaphore, #tpu.memory_space<semaphore_mem>>)
        %dma_wait3A = arith.constant 0 : i32
        %dma_wait3A_58 = tpu.memref_slice %arg6[%dma_wait3A] : memref<1240xi32, #tpu.memory_space<vmem>> -> memref<1224xi32, #tpu.memory_space<vmem>>
        %dma_wait3A_59 = tpu.memref_slice %arg2[%mul3A_44] : memref<900864xi32, #tpu.memory_space<hbm>> -> memref<1224xi32, #tpu.memory_space<hbm>>
        %dma_wait3A_60 = arith.constant 0 : i32
        %dma_wait3A_61 = tpu.memref_slice %arg6[%dma_wait3A_60] : memref<1240xi32, #tpu.memory_space<vmem>> -> memref<1224xi32, #tpu.memory_space<vmem>>
        %dma_wait3A_62 = tpu.memref_slice %arg2[%mul3A_44] : memref<900864xi32, #tpu.memory_space<hbm>> -> memref<1224xi32, #tpu.memory_space<hbm>>
        tpu.wait_dma2 semaphore(%run_scoped3A : memref<!tpu.dma_semaphore, #tpu.memory_space<semaphore_mem>>) src(%dma_wait3A_62 : memref<1224xi32, #tpu.memory_space<hbm>>) dst(%dma_wait3A_61 : memref<1224xi32, #tpu.memory_space<vmem>>)
        tpu.yield
      }) : () -> ()
      %scan3A_45 = arith.constant 0 : i32
      %scan3A_46 = arith.constant 0 : i32
      %scan3A_47 = arith.constant 136 : i32
      %scan3A_48 = arith.addi %scan3A_46, %scan3A_47 : i32
      %scan3A_49 = arith.constant 1 : i32
      scf.for %scan3A_53 = %scan3A_46 to %scan3A_48 step %scan3A_49  : i32 {
        %mul3A_54 = arith.constant 9 : i32
        %mul3A_55 = arith.muli %scan3A_53, %mul3A_54 : i32
        %get3A = arith.index_cast %mul3A_55 : i32 to index
        %get3A_56 = tpu.vector_load %arg6[%get3A] {strides = array<i32>} : memref<1240xi32, #tpu.memory_space<vmem>>, vector<16xi32>,
        %slice3A = vector.extract_strided_slice %get3A_56 {offsets = [0], sizes = [1], strides = [1]} : vector<16xi32> to vector<1xi32>
        %squeeze3A = vector.extract %slice3A[0] : i32 from vector<1xi32>
        %broadcast_in_dim3A = vector.broadcast %squeeze3A : i32 to vector<16xi32>
        %mul3A_57 = arith.constant 128 : i32
        %mul3A_58 = vector.broadcast %mul3A_57 : i32 to vector<16xi32>
        %mul3A_59 = arith.muli %broadcast_in_dim3A, %mul3A_58 : vector<16xi32>
        %slice3A_60 = vector.extract_strided_slice %get3A_56 {offsets = [1], sizes = [1], strides = [1]} : vector<16xi32> to vector<1xi32>
        %squeeze3A_61 = vector.extract %slice3A_60[0] : i32 from vector<1xi32>
        %broadcast_in_dim3A_62 = vector.broadcast %squeeze3A_61 : i32 to vector<16xi32>
        %mul3A_63 = arith.constant 128 : i32
        %mul3A_64 = vector.broadcast %mul3A_63 : i32 to vector<16xi32>
        %mul3A_65 = arith.muli %broadcast_in_dim3A_62, %mul3A_64 : vector<16xi32>
        %slice3A_66 = vector.extract_strided_slice %get3A_56 {offsets = [2], sizes = [1], strides = [1]} : vector<16xi32> to vector<1xi32>
        %squeeze3A_67 = vector.extract %slice3A_66[0] : i32 from vector<1xi32>
        %broadcast_in_dim3A_68 = vector.broadcast %squeeze3A_67 : i32 to vector<16xi32>
        %mul3A_69 = arith.constant 128 : i32
        %mul3A_70 = vector.broadcast %mul3A_69 : i32 to vector<16xi32>
        %mul3A_71 = arith.muli %broadcast_in_dim3A_68, %mul3A_70 : vector<16xi32>
        %slice3A_72 = vector.extract_strided_slice %get3A_56 {offsets = [3], sizes = [1], strides = [1]} : vector<16xi32> to vector<1xi32>
        %squeeze3A_73 = vector.extract %slice3A_72[0] : i32 from vector<1xi32>
        %broadcast_in_dim3A_74 = vector.broadcast %squeeze3A_73 : i32 to vector<16xi32>
        %mul3A_75 = arith.constant 128 : i32
        %mul3A_76 = vector.broadcast %mul3A_75 : i32 to vector<16xi32>
        %mul3A_77 = arith.muli %broadcast_in_dim3A_74, %mul3A_76 : vector<16xi32>
        %slice3A_78 = vector.extract_strided_slice %get3A_56 {offsets = [4], sizes = [1], strides = [1]} : vector<16xi32> to vector<1xi32>
        %squeeze3A_79 = vector.extract %slice3A_78[0] : i32 from vector<1xi32>
        %broadcast_in_dim3A_80 = vector.broadcast %squeeze3A_79 : i32 to vector<16xi32>
        %mul3A_81 = arith.constant 128 : i32
        %mul3A_82 = vector.broadcast %mul3A_81 : i32 to vector<16xi32>
        %mul3A_83 = arith.muli %broadcast_in_dim3A_80, %mul3A_82 : vector<16xi32>
        %slice3A_84 = vector.extract_strided_slice %get3A_56 {offsets = [5], sizes = [1], strides = [1]} : vector<16xi32> to vector<1xi32>
        %squeeze3A_85 = vector.extract %slice3A_84[0] : i32 from vector<1xi32>
        %broadcast_in_dim3A_86 = vector.broadcast %squeeze3A_85 : i32 to vector<16xi32>
        %mul3A_87 = arith.constant 128 : i32
        %mul3A_88 = vector.broadcast %mul3A_87 : i32 to vector<16xi32>
        %mul3A_89 = arith.muli %broadcast_in_dim3A_86, %mul3A_88 : vector<16xi32>
        %slice3A_90 = vector.extract_strided_slice %get3A_56 {offsets = [6], sizes = [1], strides = [1]} : vector<16xi32> to vector<1xi32>
        %squeeze3A_91 = vector.extract %slice3A_90[0] : i32 from vector<1xi32>
        %broadcast_in_dim3A_92 = vector.broadcast %squeeze3A_91 : i32 to vector<16xi32>
        %mul3A_93 = arith.constant 128 : i32
        %mul3A_94 = vector.broadcast %mul3A_93 : i32 to vector<16xi32>
        %mul3A_95 = arith.muli %broadcast_in_dim3A_92, %mul3A_94 : vector<16xi32>
        %slice3A_96 = vector.extract_strided_slice %get3A_56 {offsets = [7], sizes = [1], strides = [1]} : vector<16xi32> to vector<1xi32>
        %squeeze3A_97 = vector.extract %slice3A_96[0] : i32 from vector<1xi32>
        %broadcast_in_dim3A_98 = vector.broadcast %squeeze3A_97 : i32 to vector<16xi32>
        %mul3A_99 = arith.constant 128 : i32
        %mul3A_100 = vector.broadcast %mul3A_99 : i32 to vector<16xi32>
        %mul3A_101 = arith.muli %broadcast_in_dim3A_98, %mul3A_100 : vector<16xi32>
        %slice3A_102 = vector.extract_strided_slice %get3A_56 {offsets = [8], sizes = [1], strides = [1]} : vector<16xi32> to vector<1xi32>
        %squeeze3A_103 = vector.extract %slice3A_102[0] : i32 from vector<1xi32>
        %broadcast_in_dim3A_104 = vector.broadcast %squeeze3A_103 : i32 to vector<16xi32>
        %mul3A_105 = arith.constant 128 : i32
        %mul3A_106 = vector.broadcast %mul3A_105 : i32 to vector<16xi32>
        %mul3A_107 = arith.muli %broadcast_in_dim3A_104, %mul3A_106 : vector<16xi32>
        %add3A_108 = arith.addi %mul3A_59, %add3A_5 : vector<16xi32>
        %gather3A = tpu.vector_load_idx %arg5[%add3A_108] : memref<42752xf32, #tpu.memory_space<vmem>>[vector<16xi32>], vector<16xf32>,
        %add3A_109 = arith.addi %mul3A_65, %add3A_5 : vector<16xi32>
        %gather3A_110 = tpu.vector_load_idx %arg5[%add3A_109] : memref<42752xf32, #tpu.memory_space<vmem>>[vector<16xi32>], vector<16xf32>,
        %add3A_111 = arith.addi %mul3A_71, %add3A_5 : vector<16xi32>
        %gather3A_112 = tpu.vector_load_idx %arg5[%add3A_111] : memref<42752xf32, #tpu.memory_space<vmem>>[vector<16xi32>], vector<16xf32>,
        %add3A_113 = arith.addi %mul3A_77, %add3A_5 : vector<16xi32>
        %gather3A_114 = tpu.vector_load_idx %arg5[%add3A_113] : memref<42752xf32, #tpu.memory_space<vmem>>[vector<16xi32>], vector<16xf32>,
        %add3A_115 = arith.addi %mul3A_83, %add3A_5 : vector<16xi32>
        %gather3A_116 = tpu.vector_load_idx %arg5[%add3A_115] : memref<42752xf32, #tpu.memory_space<vmem>>[vector<16xi32>], vector<16xf32>,
        %add3A_117 = arith.addi %mul3A_89, %add3A_5 : vector<16xi32>
        %gather3A_118 = tpu.vector_load_idx %arg5[%add3A_117] : memref<42752xf32, #tpu.memory_space<vmem>>[vector<16xi32>], vector<16xf32>,
        %add3A_119 = arith.addi %mul3A_95, %add3A_5 : vector<16xi32>
        %gather3A_120 = tpu.vector_load_idx %arg5[%add3A_119] : memref<42752xf32, #tpu.memory_space<vmem>>[vector<16xi32>], vector<16xf32>,
        %add3A_121 = arith.addi %mul3A_101, %add3A_5 : vector<16xi32>
        %gather3A_122 = tpu.vector_load_idx %arg5[%add3A_121] : memref<42752xf32, #tpu.memory_space<vmem>>[vector<16xi32>], vector<16xf32>,
        %add3A_123 = arith.addi %mul3A_107, %add3A_5 : vector<16xi32>
        %gather3A_124 = tpu.vector_load_idx %arg5[%add3A_123] : memref<42752xf32, #tpu.memory_space<vmem>>[vector<16xi32>], vector<16xf32>,
        %add3A_125 = arith.addf %gather3A, %gather3A_110 : vector<16xf32>
        %add3A_126 = arith.addf %gather3A_112, %gather3A_114 : vector<16xf32>
        %add3A_127 = arith.addf %gather3A_116, %gather3A_118 : vector<16xf32>
        %add3A_128 = arith.addf %gather3A_120, %gather3A_122 : vector<16xf32>
        %add3A_129 = arith.addf %add3A_125, %add3A_126 : vector<16xf32>
        %add3A_130 = arith.addf %add3A_127, %add3A_128 : vector<16xf32>
        %add3A_131 = arith.addf %add3A_129, %add3A_130 : vector<16xf32>
        %add3A_132 = arith.addf %add3A_131, %gather3A_124 : vector<16xf32>
        %mul3A_133 = arith.constant 128 : i32
        %mul3A_134 = arith.muli %scan3A_53, %mul3A_133 : i32
        %add3A_135 = arith.constant 0 : i32
        %add3A_136 = arith.addi %mul3A_134, %add3A_135 : i32
        %swap3A = arith.index_cast %add3A_136 : i32 to index
        %swap3A_137 = tpu.vector_load %arg7[%swap3A] {strides = array<i32>} : memref<17408xf32, #tpu.memory_space<vmem>>, vector<16xf32>,
        tpu.vector_store %arg7[%swap3A], %add3A_132 {strides = array<i32>} : memref<17408xf32, #tpu.memory_space<vmem>>, vector<16xf32>,
        %add3A_138 = arith.addi %mul3A_59, %add3A_9 : vector<16xi32>
        %gather3A_139 = tpu.vector_load_idx %arg5[%add3A_138] : memref<42752xf32, #tpu.memory_space<vmem>>[vector<16xi32>], vector<16xf32>,
        %add3A_140 = arith.addi %mul3A_65, %add3A_9 : vector<16xi32>
        %gather3A_141 = tpu.vector_load_idx %arg5[%add3A_140] : memref<42752xf32, #tpu.memory_space<vmem>>[vector<16xi32>], vector<16xf32>,
        %add3A_142 = arith.addi %mul3A_71, %add3A_9 : vector<16xi32>
        %gather3A_143 = tpu.vector_load_idx %arg5[%add3A_142] : memref<42752xf32, #tpu.memory_space<vmem>>[vector<16xi32>], vector<16xf32>,
        %add3A_144 = arith.addi %mul3A_77, %add3A_9 : vector<16xi32>
        %gather3A_145 = tpu.vector_load_idx %arg5[%add3A_144] : memref<42752xf32, #tpu.memory_space<vmem>>[vector<16xi32>], vector<16xf32>,
        %add3A_146 = arith.addi %mul3A_83, %add3A_9 : vector<16xi32>
        %gather3A_147 = tpu.vector_load_idx %arg5[%add3A_146] : memref<42752xf32, #tpu.memory_space<vmem>>[vector<16xi32>], vector<16xf32>,
        %add3A_148 = arith.addi %mul3A_89, %add3A_9 : vector<16xi32>
        %gather3A_149 = tpu.vector_load_idx %arg5[%add3A_148] : memref<42752xf32, #tpu.memory_space<vmem>>[vector<16xi32>], vector<16xf32>,
        %add3A_150 = arith.addi %mul3A_95, %add3A_9 : vector<16xi32>
        %gather3A_151 = tpu.vector_load_idx %arg5[%add3A_150] : memref<42752xf32, #tpu.memory_space<vmem>>[vector<16xi32>], vector<16xf32>,
        %add3A_152 = arith.addi %mul3A_101, %add3A_9 : vector<16xi32>
        %gather3A_153 = tpu.vector_load_idx %arg5[%add3A_152] : memref<42752xf32, #tpu.memory_space<vmem>>[vector<16xi32>], vector<16xf32>,
        %add3A_154 = arith.addi %mul3A_107, %add3A_9 : vector<16xi32>
        %gather3A_155 = tpu.vector_load_idx %arg5[%add3A_154] : memref<42752xf32, #tpu.memory_space<vmem>>[vector<16xi32>], vector<16xf32>,
        %add3A_156 = arith.addf %gather3A_139, %gather3A_141 : vector<16xf32>
        %add3A_157 = arith.addf %gather3A_143, %gather3A_145 : vector<16xf32>
        %add3A_158 = arith.addf %gather3A_147, %gather3A_149 : vector<16xf32>
        %add3A_159 = arith.addf %gather3A_151, %gather3A_153 : vector<16xf32>
        %add3A_160 = arith.addf %add3A_156, %add3A_157 : vector<16xf32>
        %add3A_161 = arith.addf %add3A_158, %add3A_159 : vector<16xf32>
        %add3A_162 = arith.addf %add3A_160, %add3A_161 : vector<16xf32>
        %add3A_163 = arith.addf %add3A_162, %gather3A_155 : vector<16xf32>
        %mul3A_164 = arith.constant 128 : i32
        %mul3A_165 = arith.muli %scan3A_53, %mul3A_164 : i32
        %add3A_166 = arith.constant 16 : i32
        %add3A_167 = arith.addi %mul3A_165, %add3A_166 : i32
        %swap3A_168 = arith.index_cast %add3A_167 : i32 to index
        %swap3A_169 = tpu.vector_load %arg7[%swap3A_168] {strides = array<i32>} : memref<17408xf32, #tpu.memory_space<vmem>>, vector<16xf32>,
        tpu.vector_store %arg7[%swap3A_168], %add3A_163 {strides = array<i32>} : memref<17408xf32, #tpu.memory_space<vmem>>, vector<16xf32>,
        %add3A_170 = arith.addi %mul3A_59, %add3A_13 : vector<16xi32>
        %gather3A_171 = tpu.vector_load_idx %arg5[%add3A_170] : memref<42752xf32, #tpu.memory_space<vmem>>[vector<16xi32>], vector<16xf32>,
        %add3A_172 = arith.addi %mul3A_65, %add3A_13 : vector<16xi32>
        %gather3A_173 = tpu.vector_load_idx %arg5[%add3A_172] : memref<42752xf32, #tpu.memory_space<vmem>>[vector<16xi32>], vector<16xf32>,
        %add3A_174 = arith.addi %mul3A_71, %add3A_13 : vector<16xi32>
        %gather3A_175 = tpu.vector_load_idx %arg5[%add3A_174] : memref<42752xf32, #tpu.memory_space<vmem>>[vector<16xi32>], vector<16xf32>,
        %add3A_176 = arith.addi %mul3A_77, %add3A_13 : vector<16xi32>
        %gather3A_177 = tpu.vector_load_idx %arg5[%add3A_176] : memref<42752xf32, #tpu.memory_space<vmem>>[vector<16xi32>], vector<16xf32>,
        %add3A_178 = arith.addi %mul3A_83, %add3A_13 : vector<16xi32>
        %gather3A_179 = tpu.vector_load_idx %arg5[%add3A_178] : memref<42752xf32, #tpu.memory_space<vmem>>[vector<16xi32>], vector<16xf32>,
        %add3A_180 = arith.addi %mul3A_89, %add3A_13 : vector<16xi32>
        %gather3A_181 = tpu.vector_load_idx %arg5[%add3A_180] : memref<42752xf32, #tpu.memory_space<vmem>>[vector<16xi32>], vector<16xf32>,
        %add3A_182 = arith.addi %mul3A_95, %add3A_13 : vector<16xi32>
        %gather3A_183 = tpu.vector_load_idx %arg5[%add3A_182] : memref<42752xf32, #tpu.memory_space<vmem>>[vector<16xi32>], vector<16xf32>,
        %add3A_184 = arith.addi %mul3A_101, %add3A_13 : vector<16xi32>
        %gather3A_185 = tpu.vector_load_idx %arg5[%add3A_184] : memref<42752xf32, #tpu.memory_space<vmem>>[vector<16xi32>], vector<16xf32>,
        %add3A_186 = arith.addi %mul3A_107, %add3A_13 : vector<16xi32>
        %gather3A_187 = tpu.vector_load_idx %arg5[%add3A_186] : memref<42752xf32, #tpu.memory_space<vmem>>[vector<16xi32>], vector<16xf32>,
        %add3A_188 = arith.addf %gather3A_171, %gather3A_173 : vector<16xf32>
        %add3A_189 = arith.addf %gather3A_175, %gather3A_177 : vector<16xf32>
        %add3A_190 = arith.addf %gather3A_179, %gather3A_181 : vector<16xf32>
        %add3A_191 = arith.addf %gather3A_183, %gather3A_185 : vector<16xf32>
        %add3A_192 = arith.addf %add3A_188, %add3A_189 : vector<16xf32>
        %add3A_193 = arith.addf %add3A_190, %add3A_191 : vector<16xf32>
        %add3A_194 = arith.addf %add3A_192, %add3A_193 : vector<16xf32>
        %add3A_195 = arith.addf %add3A_194, %gather3A_187 : vector<16xf32>
        %mul3A_196 = arith.constant 128 : i32
        %mul3A_197 = arith.muli %scan3A_53, %mul3A_196 : i32
        %add3A_198 = arith.constant 32 : i32
        %add3A_199 = arith.addi %mul3A_197, %add3A_198 : i32
        %swap3A_200 = arith.index_cast %add3A_199 : i32 to index
        %swap3A_201 = tpu.vector_load %arg7[%swap3A_200] {strides = array<i32>} : memref<17408xf32, #tpu.memory_space<vmem>>, vector<16xf32>,
        tpu.vector_store %arg7[%swap3A_200], %add3A_195 {strides = array<i32>} : memref<17408xf32, #tpu.memory_space<vmem>>, vector<16xf32>,
        %add3A_202 = arith.addi %mul3A_59, %add3A_17 : vector<16xi32>
        %gather3A_203 = tpu.vector_load_idx %arg5[%add3A_202] : memref<42752xf32, #tpu.memory_space<vmem>>[vector<16xi32>], vector<16xf32>,
        %add3A_204 = arith.addi %mul3A_65, %add3A_17 : vector<16xi32>
        %gather3A_205 = tpu.vector_load_idx %arg5[%add3A_204] : memref<42752xf32, #tpu.memory_space<vmem>>[vector<16xi32>], vector<16xf32>,
        %add3A_206 = arith.addi %mul3A_71, %add3A_17 : vector<16xi32>
        %gather3A_207 = tpu.vector_load_idx %arg5[%add3A_206] : memref<42752xf32, #tpu.memory_space<vmem>>[vector<16xi32>], vector<16xf32>,
        %add3A_208 = arith.addi %mul3A_77, %add3A_17 : vector<16xi32>
        %gather3A_209 = tpu.vector_load_idx %arg5[%add3A_208] : memref<42752xf32, #tpu.memory_space<vmem>>[vector<16xi32>], vector<16xf32>,
        %add3A_210 = arith.addi %mul3A_83, %add3A_17 : vector<16xi32>
        %gather3A_211 = tpu.vector_load_idx %arg5[%add3A_210] : memref<42752xf32, #tpu.memory_space<vmem>>[vector<16xi32>], vector<16xf32>,
        %add3A_212 = arith.addi %mul3A_89, %add3A_17 : vector<16xi32>
        %gather3A_213 = tpu.vector_load_idx %arg5[%add3A_212] : memref<42752xf32, #tpu.memory_space<vmem>>[vector<16xi32>], vector<16xf32>,
        %add3A_214 = arith.addi %mul3A_95, %add3A_17 : vector<16xi32>
        %gather3A_215 = tpu.vector_load_idx %arg5[%add3A_214] : memref<42752xf32, #tpu.memory_space<vmem>>[vector<16xi32>], vector<16xf32>,
        %add3A_216 = arith.addi %mul3A_101, %add3A_17 : vector<16xi32>
        %gather3A_217 = tpu.vector_load_idx %arg5[%add3A_216] : memref<42752xf32, #tpu.memory_space<vmem>>[vector<16xi32>], vector<16xf32>,
        %add3A_218 = arith.addi %mul3A_107, %add3A_17 : vector<16xi32>
        %gather3A_219 = tpu.vector_load_idx %arg5[%add3A_218] : memref<42752xf32, #tpu.memory_space<vmem>>[vector<16xi32>], vector<16xf32>,
        %add3A_220 = arith.addf %gather3A_203, %gather3A_205 : vector<16xf32>
        %add3A_221 = arith.addf %gather3A_207, %gather3A_209 : vector<16xf32>
        %add3A_222 = arith.addf %gather3A_211, %gather3A_213 : vector<16xf32>
        %add3A_223 = arith.addf %gather3A_215, %gather3A_217 : vector<16xf32>
        %add3A_224 = arith.addf %add3A_220, %add3A_221 : vector<16xf32>
        %add3A_225 = arith.addf %add3A_222, %add3A_223 : vector<16xf32>
        %add3A_226 = arith.addf %add3A_224, %add3A_225 : vector<16xf32>
        %add3A_227 = arith.addf %add3A_226, %gather3A_219 : vector<16xf32>
        %mul3A_228 = arith.constant 128 : i32
        %mul3A_229 = arith.muli %scan3A_53, %mul3A_228 : i32
        %add3A_230 = arith.constant 48 : i32
        %add3A_231 = arith.addi %mul3A_229, %add3A_230 : i32
        %swap3A_232 = arith.index_cast %add3A_231 : i32 to index
        %swap3A_233 = tpu.vector_load %arg7[%swap3A_232] {strides = array<i32>} : memref<17408xf32, #tpu.memory_space<vmem>>, vector<16xf32>,
        tpu.vector_store %arg7[%swap3A_232], %add3A_227 {strides = array<i32>} : memref<17408xf32, #tpu.memory_space<vmem>>, vector<16xf32>,
        %add3A_234 = arith.addi %mul3A_59, %add3A_21 : vector<16xi32>
        %gather3A_235 = tpu.vector_load_idx %arg5[%add3A_234] : memref<42752xf32, #tpu.memory_space<vmem>>[vector<16xi32>], vector<16xf32>,
        %add3A_236 = arith.addi %mul3A_65, %add3A_21 : vector<16xi32>
        %gather3A_237 = tpu.vector_load_idx %arg5[%add3A_236] : memref<42752xf32, #tpu.memory_space<vmem>>[vector<16xi32>], vector<16xf32>,
        %add3A_238 = arith.addi %mul3A_71, %add3A_21 : vector<16xi32>
        %gather3A_239 = tpu.vector_load_idx %arg5[%add3A_238] : memref<42752xf32, #tpu.memory_space<vmem>>[vector<16xi32>], vector<16xf32>,
        %add3A_240 = arith.addi %mul3A_77, %add3A_21 : vector<16xi32>
        %gather3A_241 = tpu.vector_load_idx %arg5[%add3A_240] : memref<42752xf32, #tpu.memory_space<vmem>>[vector<16xi32>], vector<16xf32>,
        %add3A_242 = arith.addi %mul3A_83, %add3A_21 : vector<16xi32>
        %gather3A_243 = tpu.vector_load_idx %arg5[%add3A_242] : memref<42752xf32, #tpu.memory_space<vmem>>[vector<16xi32>], vector<16xf32>,
        %add3A_244 = arith.addi %mul3A_89, %add3A_21 : vector<16xi32>
        %gather3A_245 = tpu.vector_load_idx %arg5[%add3A_244] : memref<42752xf32, #tpu.memory_space<vmem>>[vector<16xi32>], vector<16xf32>,
        %add3A_246 = arith.addi %mul3A_95, %add3A_21 : vector<16xi32>
        %gather3A_247 = tpu.vector_load_idx %arg5[%add3A_246] : memref<42752xf32, #tpu.memory_space<vmem>>[vector<16xi32>], vector<16xf32>,
        %add3A_248 = arith.addi %mul3A_101, %add3A_21 : vector<16xi32>
        %gather3A_249 = tpu.vector_load_idx %arg5[%add3A_248] : memref<42752xf32, #tpu.memory_space<vmem>>[vector<16xi32>], vector<16xf32>,
        %add3A_250 = arith.addi %mul3A_107, %add3A_21 : vector<16xi32>
        %gather3A_251 = tpu.vector_load_idx %arg5[%add3A_250] : memref<42752xf32, #tpu.memory_space<vmem>>[vector<16xi32>], vector<16xf32>,
        %add3A_252 = arith.addf %gather3A_235, %gather3A_237 : vector<16xf32>
        %add3A_253 = arith.addf %gather3A_239, %gather3A_241 : vector<16xf32>
        %add3A_254 = arith.addf %gather3A_243, %gather3A_245 : vector<16xf32>
        %add3A_255 = arith.addf %gather3A_247, %gather3A_249 : vector<16xf32>
        %add3A_256 = arith.addf %add3A_252, %add3A_253 : vector<16xf32>
        %add3A_257 = arith.addf %add3A_254, %add3A_255 : vector<16xf32>
        %add3A_258 = arith.addf %add3A_256, %add3A_257 : vector<16xf32>
        %add3A_259 = arith.addf %add3A_258, %gather3A_251 : vector<16xf32>
        %mul3A_260 = arith.constant 128 : i32
        %mul3A_261 = arith.muli %scan3A_53, %mul3A_260 : i32
        %add3A_262 = arith.constant 64 : i32
        %add3A_263 = arith.addi %mul3A_261, %add3A_262 : i32
        %swap3A_264 = arith.index_cast %add3A_263 : i32 to index
        %swap3A_265 = tpu.vector_load %arg7[%swap3A_264] {strides = array<i32>} : memref<17408xf32, #tpu.memory_space<vmem>>, vector<16xf32>,
        tpu.vector_store %arg7[%swap3A_264], %add3A_259 {strides = array<i32>} : memref<17408xf32, #tpu.memory_space<vmem>>, vector<16xf32>,
        %add3A_266 = arith.addi %mul3A_59, %add3A_25 : vector<16xi32>
        %gather3A_267 = tpu.vector_load_idx %arg5[%add3A_266] : memref<42752xf32, #tpu.memory_space<vmem>>[vector<16xi32>], vector<16xf32>,
        %add3A_268 = arith.addi %mul3A_65, %add3A_25 : vector<16xi32>
        %gather3A_269 = tpu.vector_load_idx %arg5[%add3A_268] : memref<42752xf32, #tpu.memory_space<vmem>>[vector<16xi32>], vector<16xf32>,
        %add3A_270 = arith.addi %mul3A_71, %add3A_25 : vector<16xi32>
        %gather3A_271 = tpu.vector_load_idx %arg5[%add3A_270] : memref<42752xf32, #tpu.memory_space<vmem>>[vector<16xi32>], vector<16xf32>,
        %add3A_272 = arith.addi %mul3A_77, %add3A_25 : vector<16xi32>
        %gather3A_273 = tpu.vector_load_idx %arg5[%add3A_272] : memref<42752xf32, #tpu.memory_space<vmem>>[vector<16xi32>], vector<16xf32>,
        %add3A_274 = arith.addi %mul3A_83, %add3A_25 : vector<16xi32>
        %gather3A_275 = tpu.vector_load_idx %arg5[%add3A_274] : memref<42752xf32, #tpu.memory_space<vmem>>[vector<16xi32>], vector<16xf32>,
        %add3A_276 = arith.addi %mul3A_89, %add3A_25 : vector<16xi32>
        %gather3A_277 = tpu.vector_load_idx %arg5[%add3A_276] : memref<42752xf32, #tpu.memory_space<vmem>>[vector<16xi32>], vector<16xf32>,
        %add3A_278 = arith.addi %mul3A_95, %add3A_25 : vector<16xi32>
        %gather3A_279 = tpu.vector_load_idx %arg5[%add3A_278] : memref<42752xf32, #tpu.memory_space<vmem>>[vector<16xi32>], vector<16xf32>,
        %add3A_280 = arith.addi %mul3A_101, %add3A_25 : vector<16xi32>
        %gather3A_281 = tpu.vector_load_idx %arg5[%add3A_280] : memref<42752xf32, #tpu.memory_space<vmem>>[vector<16xi32>], vector<16xf32>,
        %add3A_282 = arith.addi %mul3A_107, %add3A_25 : vector<16xi32>
        %gather3A_283 = tpu.vector_load_idx %arg5[%add3A_282] : memref<42752xf32, #tpu.memory_space<vmem>>[vector<16xi32>], vector<16xf32>,
        %add3A_284 = arith.addf %gather3A_267, %gather3A_269 : vector<16xf32>
        %add3A_285 = arith.addf %gather3A_271, %gather3A_273 : vector<16xf32>
        %add3A_286 = arith.addf %gather3A_275, %gather3A_277 : vector<16xf32>
        %add3A_287 = arith.addf %gather3A_279, %gather3A_281 : vector<16xf32>
        %add3A_288 = arith.addf %add3A_284, %add3A_285 : vector<16xf32>
        %add3A_289 = arith.addf %add3A_286, %add3A_287 : vector<16xf32>
        %add3A_290 = arith.addf %add3A_288, %add3A_289 : vector<16xf32>
        %add3A_291 = arith.addf %add3A_290, %gather3A_283 : vector<16xf32>
        %mul3A_292 = arith.constant 128 : i32
        %mul3A_293 = arith.muli %scan3A_53, %mul3A_292 : i32
        %add3A_294 = arith.constant 80 : i32
        %add3A_295 = arith.addi %mul3A_293, %add3A_294 : i32
        %swap3A_296 = arith.index_cast %add3A_295 : i32 to index
        %swap3A_297 = tpu.vector_load %arg7[%swap3A_296] {strides = array<i32>} : memref<17408xf32, #tpu.memory_space<vmem>>, vector<16xf32>,
        tpu.vector_store %arg7[%swap3A_296], %add3A_291 {strides = array<i32>} : memref<17408xf32, #tpu.memory_space<vmem>>, vector<16xf32>,
        %add3A_298 = arith.addi %mul3A_59, %add3A_29 : vector<16xi32>
        %gather3A_299 = tpu.vector_load_idx %arg5[%add3A_298] : memref<42752xf32, #tpu.memory_space<vmem>>[vector<16xi32>], vector<16xf32>,
        %add3A_300 = arith.addi %mul3A_65, %add3A_29 : vector<16xi32>
        %gather3A_301 = tpu.vector_load_idx %arg5[%add3A_300] : memref<42752xf32, #tpu.memory_space<vmem>>[vector<16xi32>], vector<16xf32>,
        %add3A_302 = arith.addi %mul3A_71, %add3A_29 : vector<16xi32>
        %gather3A_303 = tpu.vector_load_idx %arg5[%add3A_302] : memref<42752xf32, #tpu.memory_space<vmem>>[vector<16xi32>], vector<16xf32>,
        %add3A_304 = arith.addi %mul3A_77, %add3A_29 : vector<16xi32>
        %gather3A_305 = tpu.vector_load_idx %arg5[%add3A_304] : memref<42752xf32, #tpu.memory_space<vmem>>[vector<16xi32>], vector<16xf32>,
        %add3A_306 = arith.addi %mul3A_83, %add3A_29 : vector<16xi32>
        %gather3A_307 = tpu.vector_load_idx %arg5[%add3A_306] : memref<42752xf32, #tpu.memory_space<vmem>>[vector<16xi32>], vector<16xf32>,
        %add3A_308 = arith.addi %mul3A_89, %add3A_29 : vector<16xi32>
        %gather3A_309 = tpu.vector_load_idx %arg5[%add3A_308] : memref<42752xf32, #tpu.memory_space<vmem>>[vector<16xi32>], vector<16xf32>,
        %add3A_310 = arith.addi %mul3A_95, %add3A_29 : vector<16xi32>
        %gather3A_311 = tpu.vector_load_idx %arg5[%add3A_310] : memref<42752xf32, #tpu.memory_space<vmem>>[vector<16xi32>], vector<16xf32>,
        %add3A_312 = arith.addi %mul3A_101, %add3A_29 : vector<16xi32>
        %gather3A_313 = tpu.vector_load_idx %arg5[%add3A_312] : memref<42752xf32, #tpu.memory_space<vmem>>[vector<16xi32>], vector<16xf32>,
        %add3A_314 = arith.addi %mul3A_107, %add3A_29 : vector<16xi32>
        %gather3A_315 = tpu.vector_load_idx %arg5[%add3A_314] : memref<42752xf32, #tpu.memory_space<vmem>>[vector<16xi32>], vector<16xf32>,
        %add3A_316 = arith.addf %gather3A_299, %gather3A_301 : vector<16xf32>
        %add3A_317 = arith.addf %gather3A_303, %gather3A_305 : vector<16xf32>
        %add3A_318 = arith.addf %gather3A_307, %gather3A_309 : vector<16xf32>
        %add3A_319 = arith.addf %gather3A_311, %gather3A_313 : vector<16xf32>
        %add3A_320 = arith.addf %add3A_316, %add3A_317 : vector<16xf32>
        %add3A_321 = arith.addf %add3A_318, %add3A_319 : vector<16xf32>
        %add3A_322 = arith.addf %add3A_320, %add3A_321 : vector<16xf32>
        %add3A_323 = arith.addf %add3A_322, %gather3A_315 : vector<16xf32>
        %mul3A_324 = arith.constant 128 : i32
        %mul3A_325 = arith.muli %scan3A_53, %mul3A_324 : i32
        %add3A_326 = arith.constant 96 : i32
        %add3A_327 = arith.addi %mul3A_325, %add3A_326 : i32
        %swap3A_328 = arith.index_cast %add3A_327 : i32 to index
        %swap3A_329 = tpu.vector_load %arg7[%swap3A_328] {strides = array<i32>} : memref<17408xf32, #tpu.memory_space<vmem>>, vector<16xf32>,
        tpu.vector_store %arg7[%swap3A_328], %add3A_323 {strides = array<i32>} : memref<17408xf32, #tpu.memory_space<vmem>>, vector<16xf32>,
        %add3A_330 = arith.addi %mul3A_59, %add3A_33 : vector<16xi32>
        %gather3A_331 = tpu.vector_load_idx %arg5[%add3A_330] : memref<42752xf32, #tpu.memory_space<vmem>>[vector<16xi32>], vector<16xf32>,
        %add3A_332 = arith.addi %mul3A_65, %add3A_33 : vector<16xi32>
        %gather3A_333 = tpu.vector_load_idx %arg5[%add3A_332] : memref<42752xf32, #tpu.memory_space<vmem>>[vector<16xi32>], vector<16xf32>,
        %add3A_334 = arith.addi %mul3A_71, %add3A_33 : vector<16xi32>
        %gather3A_335 = tpu.vector_load_idx %arg5[%add3A_334] : memref<42752xf32, #tpu.memory_space<vmem>>[vector<16xi32>], vector<16xf32>,
        %add3A_336 = arith.addi %mul3A_77, %add3A_33 : vector<16xi32>
        %gather3A_337 = tpu.vector_load_idx %arg5[%add3A_336] : memref<42752xf32, #tpu.memory_space<vmem>>[vector<16xi32>], vector<16xf32>,
        %add3A_338 = arith.addi %mul3A_83, %add3A_33 : vector<16xi32>
        %gather3A_339 = tpu.vector_load_idx %arg5[%add3A_338] : memref<42752xf32, #tpu.memory_space<vmem>>[vector<16xi32>], vector<16xf32>,
        %add3A_340 = arith.addi %mul3A_89, %add3A_33 : vector<16xi32>
        %gather3A_341 = tpu.vector_load_idx %arg5[%add3A_340] : memref<42752xf32, #tpu.memory_space<vmem>>[vector<16xi32>], vector<16xf32>,
        %add3A_342 = arith.addi %mul3A_95, %add3A_33 : vector<16xi32>
        %gather3A_343 = tpu.vector_load_idx %arg5[%add3A_342] : memref<42752xf32, #tpu.memory_space<vmem>>[vector<16xi32>], vector<16xf32>,
        %add3A_344 = arith.addi %mul3A_101, %add3A_33 : vector<16xi32>
        %gather3A_345 = tpu.vector_load_idx %arg5[%add3A_344] : memref<42752xf32, #tpu.memory_space<vmem>>[vector<16xi32>], vector<16xf32>,
        %add3A_346 = arith.addi %mul3A_107, %add3A_33 : vector<16xi32>
        %gather3A_347 = tpu.vector_load_idx %arg5[%add3A_346] : memref<42752xf32, #tpu.memory_space<vmem>>[vector<16xi32>], vector<16xf32>,
        %add3A_348 = arith.addf %gather3A_331, %gather3A_333 : vector<16xf32>
        %add3A_349 = arith.addf %gather3A_335, %gather3A_337 : vector<16xf32>
        %add3A_350 = arith.addf %gather3A_339, %gather3A_341 : vector<16xf32>
        %add3A_351 = arith.addf %gather3A_343, %gather3A_345 : vector<16xf32>
        %add3A_352 = arith.addf %add3A_348, %add3A_349 : vector<16xf32>
        %add3A_353 = arith.addf %add3A_350, %add3A_351 : vector<16xf32>
        %add3A_354 = arith.addf %add3A_352, %add3A_353 : vector<16xf32>
        %add3A_355 = arith.addf %add3A_354, %gather3A_347 : vector<16xf32>
        %mul3A_356 = arith.constant 128 : i32
        %mul3A_357 = arith.muli %scan3A_53, %mul3A_356 : i32
        %add3A_358 = arith.constant 112 : i32
        %add3A_359 = arith.addi %mul3A_357, %add3A_358 : i32
        %swap3A_360 = arith.index_cast %add3A_359 : i32 to index
        %swap3A_361 = tpu.vector_load %arg7[%swap3A_360] {strides = array<i32>} : memref<17408xf32, #tpu.memory_space<vmem>>, vector<16xf32>,
        tpu.vector_store %arg7[%swap3A_360], %add3A_355 {strides = array<i32>} : memref<17408xf32, #tpu.memory_space<vmem>>, vector<16xf32>,
      }
      %scan3A_50 = arith.constant 136 : i32
      %mul3A_51 = arith.constant 128 : i32
      %mul3A_52 = arith.muli %add3A_42, %mul3A_51 : i32
      "tpu.region"() ({
        %run_scoped3A = tpu.sem_alloc : memref<!tpu.dma_semaphore, #tpu.memory_space<semaphore_mem>>
        %dma_start3A = tpu.memref_slice %arg4[%mul3A_52] : memref<12812288xf32, #tpu.memory_space<hbm>> -> memref<17408xf32, #tpu.memory_space<hbm>>
        %dma_start3A_53 = tpu.memref_slice %arg4[%mul3A_52] : memref<12812288xf32, #tpu.memory_space<hbm>> -> memref<17408xf32, #tpu.memory_space<hbm>>
        tpu.enqueue_dma source(%arg7 : memref<17408xf32, #tpu.memory_space<vmem>>) target(%dma_start3A_53 : memref<17408xf32, #tpu.memory_space<hbm>>) target_semaphore(%run_scoped3A : memref<!tpu.dma_semaphore, #tpu.memory_space<semaphore_mem>>)
        %dma_wait3A = tpu.memref_slice %arg4[%mul3A_52] : memref<12812288xf32, #tpu.memory_space<hbm>> -> memref<17408xf32, #tpu.memory_space<hbm>>
        %dma_wait3A_54 = tpu.memref_slice %arg4[%mul3A_52] : memref<12812288xf32, #tpu.memory_space<hbm>> -> memref<17408xf32, #tpu.memory_space<hbm>>
        tpu.wait_dma2 semaphore(%run_scoped3A : memref<!tpu.dma_semaphore, #tpu.memory_space<semaphore_mem>>) src(%arg7 : memref<17408xf32, #tpu.memory_space<vmem>>) dst(%dma_wait3A_54 : memref<17408xf32, #tpu.memory_space<hbm>>)
        tpu.yield
      }) : () -> ()
    }
    %scan3A_38 = arith.constant 23 : i32
    return
  }
}

</mosaic_0001>

<sc_bundles>
// kernel: kernel.3.cloned.1.call-start
scs
__scs_entry_jumppad:
0x0: {  	(pc) =	sbr.rel $0x88, $3  }
0x1: {  	(tag) =	ssettag $0x0;
	lr =	simm.s32 $0x1  }
0x2: {  	[smem:$0x3F9F] =	sst lr;
	_ =	strace $0xD0000000  }
0x3: {  	_ = 	snop  }
0x4: {  	_ = 	snop  }
0x5: {  	_ = 	snop  }
0x6: {  	_ = 	snop  }
0x7: {  	_ = 	snop  }
__scs_overlays_trampoline_lowered:
0x8: {  	[smem:$0x3FAE] =	sst s0  }
0x9: {  	[smem:$0x3FAF] =	sst s1  }
0xa: {  	[smem:$0x3FB0] =	sst s2  }
0xb: {  	[smem:$0x3FB1] =	sst s3  }
0xc: {  	[smem:$0x3FB2] =	sst s4  }
0xd: {  	[smem:$0x3FB3] =	sst s5  }
0xe: {  	[smem:$0x3FB4] =	sst s6  }
0xf: {  	[smem:$0x3FB5] =	sst s7  }
0x10: {  	[smem:$0x3FB6] =	sst s8  }
0x11: {  	[smem:$0x3FB7] =	sst s9;
	s0 =	simm.s32 @!p0 $0x0  }
0x12: {  	s1 =	sld [smem:$0x3F9D];
	s0 =	simm.s32 @p0 $0x1  }
0x13: {  	[smem:$0x3FB8] =	sst s0;
	s0 =	simm.s32 @!p1 $0x0  }
0x14: {  	s2 =	sld [smem:$0x3F9C];
	s0 =	simm.s32 @p1 $0x1  }
0x15: {  	[smem:$0x3FB9] =	sst s0;
	s0 =	simm.s32 @!p2 $0x0  }
0x16: {  	s3 =	sld [smem:$0x3FDB];
	s0 =	simm.s32 @p2 $0x1  }
0x17: {  	s4 =	simm.s32 $0x1BF5;
	[smem:$0x3FBB] =	sst s0  }
0x18: {  	s0 =	sld [smem:$0x3F9E];
	_ =	swait.ge [sflag:s4], $0x0  }
0x19: {  	s7 =	sld [smem:$0x3F9F]  }
0x1a: {  	s8 =	sadd.s32 $0xFFFFE003, lr  }
0x1b: {  	s9 =	sadd.s32 $0xFFFFFEF7, lr;
	s5 =	simm.s32 $0xFFFFFFFF;
	p2 =	slt.u32 s8, $0xFFFFF086  }
0x1c: {  	p1 =	slt.u32 s9, $0xF7A;
	s5 =	simm.s32 @!p2 $0x0  }
0x1d: {  	s5 =	simm.s32 @p1 $0x1;
	p0 =	seq.s32 s7, s2  }
0x1e: {  	s7 =	smul.u32 @!p0 $0xF7A, s2;
	p2 =	seq.s32 @!p0 s5, $0x0  }
0x1f: {  	s9 =	smul.u32 $0xF7A, s1;
	s8 =	simm.s32 @!p0 $0x1BF5;
	p2 =	por !p2, p0  }
0x20: {  	[sflag:s8] =	ssyncset.s32 @!p0 $0xFFFFF086;
	s6 =	sadd.s32 @!p0 s3, s7;
	s7 =	simm.s32 @!p0 $0x108  }
0x21: {  	s3 =	sadd.s32 s3, s9;
	s6 =	sadd.s32 @!p0 $0x88, s6;
	s7 =	simm.s32 @p2 $0x1082  }
0x22: {  	[simem:s7], [sflag:s8] =	dma.local @!p0 [hbm:s6], $0xF7A  }
0x23: {  	s9 =	sor.u32 $0xD0000000, s2;
	s6 =	simm.s32 $0x108;
	_ =	swait.ge @!p0 [sflag:s8], $0x0  }
0x24: {  	s3 =	sadd.s32 $0x88, s3;
	s6 =	simm.s32 @!p1 $0x1082;
	[sflag:s4] =	ssyncset.s32 $0xFFFFF086  }
0x25: {  	[simem:s6], [sflag:s4] =	dma.local [hbm:s3], $0xF7A  }
0x26: {  	[smem:$0x3F9F] =	sst s1;
	(tag) =	ssettag s2;
	_ =	strace s9  }
0x27: {  	s1 =	sld [smem:$0x3FAF]  }
0x28: {  	s2 =	sld [smem:$0x3FB0]  }
0x29: {  	s4 =	sld [smem:$0x3FB2]  }
0x2a: {  	p0 =	seq.s32 s5, $0x0;
	s5 =	sld [smem:$0x3FB3]  }
0x2b: {  	s6 =	sld [smem:$0x3FB4]  }
0x2c: {  	s7 =	sld [smem:$0x3FB5]  }
0x2d: {  	s3 =	simm.s32 $0x108;
	s8 =	sld [smem:$0x3FB6]  }
0x2e: {  	s3 =	simm.s32 @!p0 $0x1082;
	s9 =	sld [smem:$0x3FB7]  }
0x2f: {  	lr =	sadd.s32 s0, s3;
	s0 =	sld [smem:$0x3FAE]  }
0x30: {  	s3 =	sld [smem:$0x3FB1]  }
0x31: {  	[smem:$0x3FBA] =	sst s10  }
0x32: {  	s10 =	sld [smem:$0x3FB8];
	_ =	sdelay $0x3  }
0x33: {  	p0 =	seq.s32 s10, $0x1;
	s10 =	sld [smem:$0x3FBA];
	_ =	sdelay $0x3  }
0x34: {  	[smem:$0x3FBA] =	sst s10  }
0x35: {  	s10 =	sld [smem:$0x3FB9];
	_ =	sdelay $0x3  }
0x36: {  	p1 =	seq.s32 s10, $0x1;
	s10 =	sld [smem:$0x3FBA];
	_ =	sdelay $0x3  }
0x37: {  	[smem:$0x3FBA] =	sst s10  }
0x38: {  	s10 =	sld [smem:$0x3FBB]  }
0x39: {  	_ = 	snop;
	(pc) =	sbr.ind lr, $3  }
0x3a: {  	_ = 	snop  }
0x3b: {  	_ = 	snop  }
0x3c: {  	p2 =	seq.s32 s10, $0x1;
	s10 =	sld [smem:$0x3FBA]  }
0x3d: {  	_ =	shalt  }
0x3e: {  	_ =	shalt  }
0x3f: {  	_ =	shalt  }
0x40: {  	_ =	shalt  }
0x41: {  	_ =	shalt  }
0x42: {  	_ =	shalt  }
0x43: {  	_ =	shalt  }
0x44: {  	_ =	shalt  }
0x45: {  	_ =	shalt  }
0x46: {  	_ =	shalt  }
0x47: {  	_ =	shalt  }
0x48: {  	_ =	shalt  }
0x49: {  	_ =	shalt  }
0x4a: {  	_ =	shalt  }
0x4b: {  	_ =	shalt  }
0x4c: {  	_ =	shalt  }
0x4d: {  	_ =	shalt  }
0x4e: {  	_ =	shalt  }
0x4f: {  	_ =	shalt  }
0x50: {  	_ =	shalt  }
0x51: {  	_ =	shalt  }
0x52: {  	_ =	shalt  }
0x53: {  	_ =	shalt  }
0x54: {  	_ =	shalt  }
0x55: {  	_ =	shalt  }
0x56: {  	_ =	shalt  }
0x57: {  	_ =	shalt  }
0x58: {  	_ =	shalt  }
0x59: {  	_ =	shalt  }
0x5a: {  	_ =	shalt  }
0x5b: {  	_ =	shalt  }
0x5c: {  	_ =	shalt  }
0x5d: {  	_ =	shalt  }
0x5e: {  	_ =	shalt  }
0x5f: {  	_ =	shalt  }
0x60: {  	_ =	shalt  }
0x61: {  	_ =	shalt  }
0x62: {  	_ =	shalt  }
0x63: {  	_ =	shalt  }
0x64: {  	_ =	shalt  }
0x65: {  	_ =	shalt  }
0x66: {  	_ =	shalt  }
0x67: {  	_ =	shalt  }
0x68: {  	_ =	shalt  }
0x69: {  	_ =	shalt  }
0x6a: {  	_ =	shalt  }
0x6b: {  	_ =	shalt  }
0x6c: {  	_ =	shalt  }
0x6d: {  	_ =	shalt  }
0x6e: {  	_ =	shalt  }
0x6f: {  	_ =	shalt  }
0x70: {  	_ =	shalt  }
0x71: {  	_ =	shalt  }
0x72: {  	_ =	shalt  }
0x73: {  	_ =	shalt  }
0x74: {  	_ =	shalt  }
0x75: {  	_ =	shalt  }
0x76: {  	_ =	shalt  }
0x77: {  	_ =	shalt  }
0x78: {  	_ =	shalt  }
0x79: {  	_ =	shalt  }
0x7a: {  	_ =	shalt  }
0x7b: {  	_ =	shalt  }
0x7c: {  	_ =	shalt  }
0x7d: {  	_ =	shalt  }
0x7e: {  	_ =	shalt  }
0x7f: {  	_ =	shalt  }
0x80: {  	_ =	shalt  }
0x81: {  	_ =	shalt  }
0x82: {  	_ =	shalt  }
0x83: {  	_ =	shalt  }
0x84: {  	_ =	shalt  }
0x85: {  	_ =	shalt  }
0x86: {  	_ =	shalt  }
0x87: {  	_ =	shalt  }
.Lfunc_end0:
.L_simem_size_0:
called_computation_lowered:
.L_overlay_start_0:
0x88: {  	s2 =	sld [smem:$0x3FD9]  }
0x89: {  	s3 =	sld [smem:$0x3FFE];
	_ =	sdelay $0x1  }
0x8a: {  	s1 =	srdreg.scid  }
0x8b: {  	s0 =	sand.u32 $0x1, s1  }
0x8c: {  	s17 =	sshll.u32 s0, $0xA;
	s2 =	sadd.s32 s3, s2  }
0x8d: {  	s2 =	sadd.s32 s2, s17  }
0x8e: {  	[smem:$0x3FC6] =	sst s2  }
0x8f: {  	_ = 	snop  }
0x90: {  	s2 =	sld [smem:$0x3FC8]  }
0x91: {  	s18 =	sld [smem:$0x3FD0];
	(tm) =	ssettm $0x1  }
0x92: {  	s4 =	sld [smem:$0x3FFB];
	_ =	sdelay $0x3  }
0x93: {  	_ =	strace s4  }
0x94: {  	s4 =	sld [smem:$0x3FFC];
	_ =	sdelay $0x3  }
0x95: {  	_ =	strace s4  }
0x96: {  	s4 =	sld [smem:$0x3FFD];
	_ =	sdelay $0x3  }
0x97: {  	_ =	strace s4  }
0x98: {  	_ =	strace $0x8FFFFFFF  }
0x99: {  	s19 =	sld [smem:$0x3FDB];
	_ =	sdelay $0x1  }
0x9a: {  	s5 =	simm.s32 $_scs_section_size  }
0x9b: {  	s6 =	simm.s32 $_size__tile_overlayer_lowered;
	s7 =	simm.s32 $_tile_overlayer_lowered  }
0x9c: {  	s22 =	simm.s32 $0x1BFF;
	s21 =	sshll.u32 s7, $0x1;
	s4 =	sadd.s32 s5, s19  }
0x9d: {  	s8 =	simm.s32 $0x0;
	s20 =	sshll.u32 s6, $0x1;
	s6 =	sadd.s32 s21, s4  }
0x9e: {  	[timem:s8], [sflag:s22] =	dma.local [hbm:s6], s20  }
0x9f: {  	_ =	swait.ge [sflag:s22], s20  }
0xa0: {  	s5 =	ssub.s32 $0x0, s20;
	[sflag:s22] =	ssyncset.done $0x0  }
0xa1: {  	[sflag:s22] =	ssyncadd.s32 s5;
	_ =	sdelay $0x1  }
0xa2: {  	s23 =	simm.s32 $0x1B8B  }
0xa3: {  	_ =	swait.ge [sflag:s23], $0x1  }
0xa4: {  	[sflag:s23] =	ssyncset.done $0x0  }
0xa5: {  	s25 =	simm.s32 $0x1B8E;
	s24 =	sld [smem:$0x3FFE];
	[sflag:s23] =	ssyncadd.s32 $0xFFFFFFFF  }
0xa6: {  	s26 =	simm.s32 $execute0_lowered;
	[smem:$0x3FD2] =	sst s25  }
0xa7: {  	s6 =	sshll.u32 s26, $0x1;
	_ =	strace $0x80000046;
	[dreg:$0x1] =	wrdreg $0xFFFFFFFF  }
0xa8: {  	s28 =	simm.s32 $_size_execute0_lowered;
	s4 =	sadd.s32 s4, s6;
	[dreg:$0x0] =	wrdreg $0x0  }
0xa9: {  	s6 =	sshll.u32 s28, $0x1;
	[dreg:$0x2] =	wrdreg s4  }
0xaa: {  	[dreg:$0x3] =	wrdreg s6  }
0xab: {  	[dreg:$0x4] =	wrdreg $0xC0  }
0xac: {  	_ =	task [dreg:s8], $0x5FFFF  }
0xad: {  	[dreg:$0x1] =	wrdreg $0xFFFFFFFF  }
0xae: {  	[dreg:$0x0] =	wrdreg $0x60  }
0xaf: {  	[dreg:$0x2] =	wrdreg s18  }
0xb0: {  	[dreg:$0x3] =	wrdreg s2  }
0xb1: {  	[dreg:$0x4] =	wrdreg s24  }
0xb2: {  	[dreg:$0x5] =	wrdreg $0x9  }
0xb3: {  	_ =	task.clear_ibuf [dreg:s8], $0x6FFFF;
	_ =	strace $0x90000046  }
0xb4: {  	s29 =	simm.s32 $0x9;
	_ =	strace $0x80000048  }
0xb5: {  	_ =	swait.ge [sflag:s29], $0x1  }
0xb6: {  	[sflag:s29] =	ssyncadd.s32 $0xFFFFFFFF  }
0xb7: {  	_ =	strace $0x90000048  }
0xb8: {  	_ =	sfence  }
0xb9: {  	s30 =	sld [smem:$0x0];
	_ =	sdelay $0x2  }
0xba: {  	s31 =	sshll.u32 s1, $0xD;
	s1 =	sshrl.u32 s1, $0x2  }
0xbb: {  	s3 =	sand.u32 $0x4000, s31;
	s1 =	sadd.s32 s1, s30  }
0xbc: {  	s0 =	sor.u32 s3, s0;
	s1 =	sshll.u32 s1, $0x11  }
0xbd: {  	s0 =	sor.u32 s1, s0  }
0xbe: {  	s0 =	sadd.s32 $0x8F2B, s0  }
0xbf: {  	[sflag:s0] =	ssyncadd.remote.s32 $0x1  }
0xc0: {  	_ =	sfence.sel $0xFFFF  }
0xc1: {  	[dreg:$0x0] =	wrdreg $0xFFFFFFFF;
	(pc) =	sbr.abs _section_cstart, $3  }
0xc2: {  	[dreg:$0x1] =	wrdreg $0xFFFFFFFF  }
0xc3: {  	_ =	task.clear_ibuf [dreg:s8], $0x2FFFF;
	_ =	strace $0x9FFFFFFF  }
0xc4: {  	(tm) =	ssettm $0x7FFFFFFF  }
0xc5: {  	_ =	shalt  }
tec
execute0_lowered:
.L_overlay_start_1:
0x0: {  	(tag) =	ssettag $0x1  }
0x1: {  	s1 =	rddreg [dreg:$0x0]  }
0x2: {  	s2 =	rddreg [dreg:$0x1]  }
0x3: {  	s5 =	rddreg [dreg:$0x2];
	s3 =	srdreg.scid  }
0x4: {  	s0 =	rddreg [dreg:$0x3];
	s4 =	simm.s32 $0x0;
	s10 =	simm.s32 $0xAC00  }
0x5: {  	s11 =	simm.s32 $0x0;
	s6 =	sand.u32 $0x1, s3;
	[smem:$0x7FF] =	sst s4  }
0x6: {  	v0 =	vlaneseq.u32;
	s3 =	stileid.u32;
	s5 =	sadd.s32 $0x400, s5;
	s7 =	ssub.s32 $0x2, s6  }
0x7: {  	v1 =	vor.u32 $0x10, v0;
	_ =	strace $0x80000047;
	s9 =	sshll.u32 s3, $0x1;
	s8 =	sshrl.u32 s7, $0x1  }
0x8: {  	v2 =	vor.u32 $0x20, v0;
	v3 =	vor.u32 $0x30, v0;
	v4 =	vor.u32 $0x40, v0;
	s6 =	sor.u32 s6, s9;
	s9 =	simm.s32 $0xA700;
	s7 =	ssub.s32 s7, s8  }
0x9: {  	v5 =	vor.u32 $0x50, v0;
	v6 =	vor.u32 $0x60, v0;
	v7 =	vor.u32 $0x70, v0;
	s6 =	smul.u32 $0xC38, s6;
	s8 =	simm.s32 $0x1;
	s7 =	smax.u32 s7, $0x1  }
.LBB2_1:
0xa: {  	[tilespmem:s4], [sflag:$0x1] =	stream.linear.gather [hbm4b:s2+s4], $0xA700, $0x38;
	[tilespmem:$0xF000] =	vst v63  }
0xb: {  	_ =	swait.ge [sflag:s8], $0xA700  }
0xc: {  	[sflag:s8] =	ssyncset.done $0x0  }
0xd: {  	s12 =	simm.s32 $0x0;
	[sflag:s8] =	ssyncadd.s32 $0xFFFF5900  }
.LBB2_2:
0xe: {  	s13 =	smul.u32 $0x88, s12;
	_ =	sdelay $0x1  }
0xf: {  	s13 =	sadd.s32 s6, s13  }
0x10: {  	s14 =	sshrl.u32 s13, $0x3;
	s15 =	sadd.s32 s1, s13  }
0x11: {  	s15 =	sadd.s32 s14, s15;
	s14 =	simm.s32 $0x0  }
0x12: {  	[tilespmem:s9], [sflag:$0x1] =	stream.linear.gather [hbm4b:s15+s14], $0x4C8, $0x38;
	[tilespmem:$0xF000] =	vst v63  }
0x13: {  	_ =	swait.ge [sflag:s8], $0x4C8  }
0x14: {  	[sflag:s8] =	ssyncset.done $0x0  }
0x15: {  	s15 =	simm.s32 $0xAC40;
	[sflag:s8] =	ssyncadd.s32 $0xFFFFFB38  }
.LBB2_3:
0x16: {  	s16 =	sshra.s32 s14, $0x2  }
0x17: {  	v8 =	vld [tilespmem:s16+$0xA700];
	_ =	sdelay $0x4  }
0x18: {  	v16 =	vshll.u32 v8, $0x7  }
0x19: {  	v9 =	vbroadcast v16, $0x0  }
0x1a: {  	v10 =	vbroadcast v16, $0x1  }
0x1b: {  	v8 =	vbroadcast v16, $0x2;
	v17 =	vor.u32 v0, v9  }
0x1c: {  	v11 =	vbroadcast v16, $0x3;
	v18 =	vor.u32 v0, v10  }
0x1d: {  	v12 =	vbroadcast v16, $0x4;
	v19 =	vor.u32 v0, v8  }
0x1e: {  	v13 =	vbroadcast v16, $0x5;
	v20 =	vor.u32 v0, v11  }
0x1f: {  	v14 =	vbroadcast v16, $0x6;
	v21 =	vor.u32 v0, v12  }
0x20: {  	v15 =	vbroadcast v16, $0x7;
	v22 =	vor.u32 v0, v13;
	v17 =	vld.idx.msk [tilespmem:v17+s4+$0x0], $0xffff  }
0x21: {  	v23 =	vor.u32 v0, v14;
	v18 =	vld.idx.msk [tilespmem:v18+s4+$0x0], $0xffff  }
0x22: {  	v24 =	vor.u32 v0, v15;
	v19 =	vld.idx.msk [tilespmem:v19+s4+$0x0], $0xffff  }
0x23: {  	v20 =	vld.idx.msk [tilespmem:v20+s4+$0x0], $0xffff  }
0x24: {  	v21 =	vld.idx.msk [tilespmem:v21+s4+$0x0], $0xffff  }
0x25: {  	v22 =	vld.idx.msk [tilespmem:v22+s4+$0x0], $0xffff  }
0x26: {  	v16 =	vbroadcast v16, $0x8;
	v23 =	vld.idx.msk [tilespmem:v23+s4+$0x0], $0xffff  }
0x27: {  	v24 =	vld.idx.msk [tilespmem:v24+s4+$0x0], $0xffff  }
0x28: {  	v25 =	vor.u32 v0, v16;
	_ =	sdelay $0x2  }
0x29: {  	v17 =	vadd.f32 v18, v17;
	v55 =	vadd.f32 v20, v19  }
0x2a: {  	v56 =	vadd.f32 v22, v21;
	v57 =	vadd.f32 v24, v23  }
0x2b: {  	v58 =	vld.idx.msk [tilespmem:v25+s4+$0x0], $0xffff  }
0x2c: {  	v17 =	vadd.f32 v55, v17;
	v59 =	vadd.f32 v57, v56;
	_ =	sdelay $0x1  }
0x2d: {  	v60 =	vor.u32 v1, v9;
	v17 =	vadd.f32 v59, v17  }
0x2e: {  	v61 =	vor.u32 v1, v10  }
0x2f: {  	v62 =	vor.u32 v1, v8;
	v17 =	vadd.f32 v17, v58  }
0x30: {  	v63 =	vor.u32 v1, v11  }
0x31: {  	v28 =	vor.u32 v1, v12;
	[tilespmem:s15+$0xFFFFFFC0] =	vst v17  }
0x32: {  	v29 =	vor.u32 v1, v13;
	v18 =	vld.idx.msk [tilespmem:v60+s4+$0x0], $0xffff  }
0x33: {  	v30 =	vor.u32 v1, v14;
	v19 =	vld.idx.msk [tilespmem:v61+s4+$0x0], $0xffff  }
0x34: {  	v31 =	vor.u32 v1, v15;
	v20 =	vld.idx.msk [tilespmem:v62+s4+$0x0], $0xffff  }
0x35: {  	v21 =	vld.idx.msk [tilespmem:v63+s4+$0x0], $0xffff  }
0x36: {  	v17 =	vld.idx.msk [tilespmem:v28+s4+$0x0], $0xffff  }
0x37: {  	v22 =	vld.idx.msk [tilespmem:v29+s4+$0x0], $0xffff  }
0x38: {  	v23 =	vld.idx.msk [tilespmem:v30+s4+$0x0], $0xffff  }
0x39: {  	v24 =	vld.idx.msk [tilespmem:v31+s4+$0x0], $0xffff  }
0x3a: {  	v32 =	vor.u32 v1, v16;
	_ =	sdelay $0x2  }
0x3b: {  	v18 =	vadd.f32 v19, v18;
	v33 =	vadd.f32 v21, v20  }
0x3c: {  	v17 =	vadd.f32 v22, v17;
	v34 =	vadd.f32 v24, v23  }
0x3d: {  	v35 =	vld.idx.msk [tilespmem:v32+s4+$0x0], $0xffff  }
0x3e: {  	v18 =	vadd.f32 v33, v18;
	v17 =	vadd.f32 v34, v17;
	_ =	sdelay $0x1  }
0x3f: {  	v36 =	vor.u32 v2, v9;
	v17 =	vadd.f32 v17, v18  }
0x40: {  	v37 =	vor.u32 v2, v10  }
0x41: {  	v38 =	vor.u32 v2, v8;
	v17 =	vadd.f32 v17, v35  }
0x42: {  	v39 =	vor.u32 v2, v11  }
0x43: {  	v40 =	vor.u32 v2, v12;
	[tilespmem:s15+$0xFFFFFFD0] =	vst v17  }
0x44: {  	v41 =	vor.u32 v2, v13;
	v18 =	vld.idx.msk [tilespmem:v36+s4+$0x0], $0xffff  }
0x45: {  	v42 =	vor.u32 v2, v14;
	v19 =	vld.idx.msk [tilespmem:v37+s4+$0x0], $0xffff  }
0x46: {  	v43 =	vor.u32 v2, v15;
	v20 =	vld.idx.msk [tilespmem:v38+s4+$0x0], $0xffff  }
0x47: {  	v21 =	vld.idx.msk [tilespmem:v39+s4+$0x0], $0xffff  }
0x48: {  	v17 =	vld.idx.msk [tilespmem:v40+s4+$0x0], $0xffff  }
0x49: {  	v22 =	vld.idx.msk [tilespmem:v41+s4+$0x0], $0xffff  }
0x4a: {  	v23 =	vld.idx.msk [tilespmem:v42+s4+$0x0], $0xffff  }
0x4b: {  	v24 =	vld.idx.msk [tilespmem:v43+s4+$0x0], $0xffff  }
0x4c: {  	v44 =	vor.u32 v2, v16;
	_ =	sdelay $0x2  }
0x4d: {  	v18 =	vadd.f32 v19, v18;
	v45 =	vadd.f32 v21, v20  }
0x4e: {  	v17 =	vadd.f32 v22, v17;
	v46 =	vadd.f32 v24, v23  }
0x4f: {  	v47 =	vld.idx.msk [tilespmem:v44+s4+$0x0], $0xffff  }
0x50: {  	v18 =	vadd.f32 v45, v18;
	v17 =	vadd.f32 v46, v17;
	_ =	sdelay $0x1  }
0x51: {  	v48 =	vor.u32 v3, v9;
	v17 =	vadd.f32 v17, v18  }
0x52: {  	v49 =	vor.u32 v3, v10  }
0x53: {  	v50 =	vor.u32 v3, v8;
	v17 =	vadd.f32 v17, v47  }
0x54: {  	v51 =	vor.u32 v3, v11  }
0x55: {  	v52 =	vor.u32 v3, v12;
	[tilespmem:s15+$0xFFFFFFE0] =	vst v17  }
0x56: {  	v53 =	vor.u32 v3, v13;
	v18 =	vld.idx.msk [tilespmem:v48+s4+$0x0], $0xffff  }
0x57: {  	v54 =	vor.u32 v3, v14;
	v19 =	vld.idx.msk [tilespmem:v49+s4+$0x0], $0xffff  }
0x58: {  	v55 =	vor.u32 v3, v15;
	v20 =	vld.idx.msk [tilespmem:v50+s4+$0x0], $0xffff  }
0x59: {  	v21 =	vld.idx.msk [tilespmem:v51+s4+$0x0], $0xffff  }
0x5a: {  	v17 =	vld.idx.msk [tilespmem:v52+s4+$0x0], $0xffff  }
0x5b: {  	v22 =	vld.idx.msk [tilespmem:v53+s4+$0x0], $0xffff  }
0x5c: {  	v23 =	vld.idx.msk [tilespmem:v54+s4+$0x0], $0xffff  }
0x5d: {  	v24 =	vld.idx.msk [tilespmem:v55+s4+$0x0], $0xffff  }
0x5e: {  	v56 =	vor.u32 v3, v16;
	_ =	sdelay $0x2  }
0x5f: {  	v18 =	vadd.f32 v19, v18;
	v57 =	vadd.f32 v21, v20  }
0x60: {  	v17 =	vadd.f32 v22, v17;
	v58 =	vadd.f32 v24, v23  }
0x61: {  	v59 =	vld.idx.msk [tilespmem:v56+s4+$0x0], $0xffff  }
0x62: {  	v18 =	vadd.f32 v57, v18;
	v17 =	vadd.f32 v58, v17;
	_ =	sdelay $0x1  }
0x63: {  	v60 =	vor.u32 v4, v9;
	v17 =	vadd.f32 v17, v18  }
0x64: {  	v61 =	vor.u32 v4, v10  }
0x65: {  	v62 =	vor.u32 v4, v8;
	v17 =	vadd.f32 v17, v59  }
0x66: {  	v63 =	vor.u32 v4, v11  }
0x67: {  	v28 =	vor.u32 v4, v12;
	[tilespmem:s15+$0xFFFFFFF0] =	vst v17  }
0x68: {  	v29 =	vor.u32 v4, v13;
	v18 =	vld.idx.msk [tilespmem:v60+s4+$0x0], $0xffff  }
0x69: {  	v30 =	vor.u32 v4, v14;
	v19 =	vld.idx.msk [tilespmem:v61+s4+$0x0], $0xffff  }
0x6a: {  	v31 =	vor.u32 v4, v15;
	v20 =	vld.idx.msk [tilespmem:v62+s4+$0x0], $0xffff  }
0x6b: {  	v21 =	vld.idx.msk [tilespmem:v63+s4+$0x0], $0xffff  }
0x6c: {  	v17 =	vld.idx.msk [tilespmem:v28+s4+$0x0], $0xffff  }
0x6d: {  	v22 =	vld.idx.msk [tilespmem:v29+s4+$0x0], $0xffff  }
0x6e: {  	v23 =	vld.idx.msk [tilespmem:v30+s4+$0x0], $0xffff  }
0x6f: {  	v24 =	vld.idx.msk [tilespmem:v31+s4+$0x0], $0xffff  }
0x70: {  	v32 =	vor.u32 v4, v16;
	_ =	sdelay $0x2  }
0x71: {  	v18 =	vadd.f32 v19, v18;
	v33 =	vadd.f32 v21, v20  }
0x72: {  	v17 =	vadd.f32 v22, v17;
	v34 =	vadd.f32 v24, v23  }
0x73: {  	v35 =	vld.idx.msk [tilespmem:v32+s4+$0x0], $0xffff  }
0x74: {  	v18 =	vadd.f32 v33, v18;
	v17 =	vadd.f32 v34, v17;
	_ =	sdelay $0x1  }
0x75: {  	v36 =	vor.u32 v5, v9;
	v17 =	vadd.f32 v17, v18  }
0x76: {  	v37 =	vor.u32 v5, v10  }
0x77: {  	v38 =	vor.u32 v5, v8;
	v17 =	vadd.f32 v17, v35  }
0x78: {  	v39 =	vor.u32 v5, v11  }
0x79: {  	v40 =	vor.u32 v5, v12;
	[tilespmem:s15+$0x0] =	vst v17  }
0x7a: {  	v41 =	vor.u32 v5, v13;
	v18 =	vld.idx.msk [tilespmem:v36+s4+$0x0], $0xffff  }
0x7b: {  	v42 =	vor.u32 v5, v14;
	v19 =	vld.idx.msk [tilespmem:v37+s4+$0x0], $0xffff  }
0x7c: {  	v43 =	vor.u32 v5, v15;
	v20 =	vld.idx.msk [tilespmem:v38+s4+$0x0], $0xffff  }
0x7d: {  	v21 =	vld.idx.msk [tilespmem:v39+s4+$0x0], $0xffff  }
0x7e: {  	v17 =	vld.idx.msk [tilespmem:v40+s4+$0x0], $0xffff  }
0x7f: {  	v22 =	vld.idx.msk [tilespmem:v41+s4+$0x0], $0xffff  }
0x80: {  	v23 =	vld.idx.msk [tilespmem:v42+s4+$0x0], $0xffff  }
0x81: {  	v24 =	vld.idx.msk [tilespmem:v43+s4+$0x0], $0xffff  }
0x82: {  	v44 =	vor.u32 v5, v16;
	_ =	sdelay $0x2  }
0x83: {  	v18 =	vadd.f32 v19, v18;
	v45 =	vadd.f32 v21, v20  }
0x84: {  	v17 =	vadd.f32 v22, v17;
	v46 =	vadd.f32 v24, v23  }
0x85: {  	v47 =	vld.idx.msk [tilespmem:v44+s4+$0x0], $0xffff  }
0x86: {  	v18 =	vadd.f32 v45, v18;
	v17 =	vadd.f32 v46, v17;
	_ =	sdelay $0x1  }
0x87: {  	v48 =	vor.u32 v6, v9;
	v17 =	vadd.f32 v17, v18  }
0x88: {  	v49 =	vor.u32 v6, v10  }
0x89: {  	v50 =	vor.u32 v6, v8;
	v17 =	vadd.f32 v17, v47  }
0x8a: {  	v51 =	vor.u32 v6, v11  }
0x8b: {  	v52 =	vor.u32 v6, v12;
	[tilespmem:s15+$0x10] =	vst v17  }
0x8c: {  	v53 =	vor.u32 v6, v13;
	v18 =	vld.idx.msk [tilespmem:v48+s4+$0x0], $0xffff  }
0x8d: {  	v54 =	vor.u32 v6, v14;
	v19 =	vld.idx.msk [tilespmem:v49+s4+$0x0], $0xffff  }
0x8e: {  	v55 =	vor.u32 v6, v15;
	v20 =	vld.idx.msk [tilespmem:v50+s4+$0x0], $0xffff  }
0x8f: {  	v21 =	vld.idx.msk [tilespmem:v51+s4+$0x0], $0xffff  }
0x90: {  	v17 =	vld.idx.msk [tilespmem:v52+s4+$0x0], $0xffff  }
0x91: {  	v22 =	vld.idx.msk [tilespmem:v53+s4+$0x0], $0xffff  }
0x92: {  	v23 =	vld.idx.msk [tilespmem:v54+s4+$0x0], $0xffff  }
0x93: {  	v24 =	vld.idx.msk [tilespmem:v55+s4+$0x0], $0xffff  }
0x94: {  	v56 =	vor.u32 v6, v16;
	_ =	sdelay $0x2  }
0x95: {  	v18 =	vadd.f32 v19, v18;
	v57 =	vadd.f32 v21, v20  }
0x96: {  	v17 =	vadd.f32 v22, v17;
	v58 =	vadd.f32 v24, v23  }
0x97: {  	v59 =	vld.idx.msk [tilespmem:v56+s4+$0x0], $0xffff  }
0x98: {  	v18 =	vadd.f32 v57, v18;
	v17 =	vadd.f32 v58, v17;
	_ =	sdelay $0x1  }
0x99: {  	v9 =	vor.u32 v7, v9;
	v17 =	vadd.f32 v17, v18  }
0x9a: {  	v10 =	vor.u32 v7, v10  }
0x9b: {  	v8 =	vor.u32 v7, v8;
	v17 =	vadd.f32 v17, v59  }
0x9c: {  	v11 =	vor.u32 v7, v11  }
0x9d: {  	v12 =	vor.u32 v7, v12;
	[tilespmem:s15+$0x20] =	vst v17  }
0x9e: {  	v13 =	vor.u32 v7, v13;
	v9 =	vld.idx.msk [tilespmem:v9+s4+$0x0], $0xffff  }
0x9f: {  	v14 =	vor.u32 v7, v14;
	v10 =	vld.idx.msk [tilespmem:v10+s4+$0x0], $0xffff  }
0xa0: {  	v15 =	vor.u32 v7, v15;
	v8 =	vld.idx.msk [tilespmem:v8+s4+$0x0], $0xffff  }
0xa1: {  	v11 =	vld.idx.msk [tilespmem:v11+s4+$0x0], $0xffff  }
0xa2: {  	v12 =	vld.idx.msk [tilespmem:v12+s4+$0x0], $0xffff  }
0xa3: {  	v13 =	vld.idx.msk [tilespmem:v13+s4+$0x0], $0xffff  }
0xa4: {  	v14 =	vld.idx.msk [tilespmem:v14+s4+$0x0], $0xffff  }
0xa5: {  	v15 =	vld.idx.msk [tilespmem:v15+s4+$0x0], $0xffff  }
0xa6: {  	v16 =	vor.u32 v7, v16;
	_ =	sdelay $0x2  }
0xa7: {  	v9 =	vadd.f32 v10, v9;
	v8 =	vadd.f32 v11, v8  }
0xa8: {  	v60 =	vadd.f32 v13, v12;
	v61 =	vadd.f32 v15, v14  }
0xa9: {  	v62 =	vld.idx.msk [tilespmem:v16+s4+$0x0], $0xffff  }
0xaa: {  	v8 =	vadd.f32 v8, v9;
	v63 =	vadd.f32 v61, v60  }
0xab: {  	p0 =	sne.s32 s14, $0x12FC  }
.Ltmp0:
0xac: {  	v8 =	vadd.f32 v63, v8;
	(pc) =	sbr.rel @p0 .LBB2_3-.Ltmp0, $3  }
0xad: {  	_ = 	snop  }
0xae: {  	v8 =	vadd.f32 v8, v62;
	_ =	sdelay $0x1  }
0xaf: {  	s14 =	sadd.s32 $0x24, s14;
	[tilespmem:s15+$0x30] =	vst v8;
	s15 =	sadd.s32 $0x80, s15  }
0xb0: {  	s12 =	sadd.s32 $0x1, s12  }
0xb1: {  	s13 =	sshll.u32 s13, $0x4;
	p0 =	sne.s32 s12, $0x17  }
.Ltmp1:
0xb2: {  	s13 =	sadd.s32 s5, s13;
	(pc) =	sbr.rel @p0 .LBB2_2-.Ltmp1, $4  }
0xb3: {  	[hbm4b:s13+s4] =	stream.linear.scatter [tilespmem:s10], [sflag:$0x1], $0x4400, $0x38;
	[tilespmem:$0xF000] =	vst v63  }
0xb4: {  	_ =	swait.ge [sflag:s8], $0x4400  }
0xb5: {  	[sflag:s8] =	ssyncset.done $0x0  }
0xb6: {  	[sflag:s8] =	ssyncadd.s32 $0xFFFFBC00  }
0xb7: {  	s11 =	sadd.s32 $0x1, s11  }
0xb8: {  	p0 =	sne.s32 s11, s7  }
.Ltmp2:
0xb9: {  	_ = 	snop;
	(pc) =	sbr.rel @p0 .LBB2_1-.Ltmp2, $1  }
0xba: {  	_ =	sdelay $0x3  }
0xbb: {  	_ =	sfence.sel $0x180000  }
0xbc: {  	[bflag:$0x0] =	sbarrier.arrive $0xFFFF  }
0xbd: {  	p0 =	sne.s32 s3, $0x0;
	_ =	strace $0x90000047  }
0xbe: {  	s0 =	sadd.s32 @!p0 $0x100000, s0;
	[bflag:$0x2] =	sbarrier.arrive $0xFFFF  }
0xbf: {  	[sflag:s0] =	ssyncadd.tile.s32 @!p0 $0x1;
	_ =	shalt  }
.Lfunc_end2:
_tile_overlayer_lowered:
.L_overlay_start_2:
0xc0: {  	(tag) =	ssettag $0x2  }
0xc1: {  	s0 =	rddreg [dreg:$0x0];
	s2 =	stileid.u32  }
0xc2: {  	s1 =	rddreg [dreg:$0x1];
	p0 =	sne.s32 s2, $0x0  }
0xc3: {  	s3 =	rddreg [dreg:$0x2];
	[bflag:$0x3] =	sbarrier.arrive $0xFFFF;
	s2 =	simm.s32 @!p0 $0x1C01  }
0xc4: {  	[timem:s3], [sflag:s2] =	dma.local @!p0 [hbm:s0], s1  }
0xc5: {  	s0 =	simm.s32 @!p0 $0x1  }
0xc6: {  	_ =	swait.ge @!p0 [sflag:s0], s1  }
0xc7: {  	s1 =	ssub.s32 @!p0 $0x0, s1;
	[sflag:s0] =	ssyncset.done @!p0 $0x0  }
0xc8: {  	[sflag:s0] =	ssyncadd.s32 @!p0 s1  }
0xc9: {  	[bflag:$0x3] =	sbarrier.arrive $0xFFFF  }
0xca: {  	_ =	shalt  }

</sc_bundles>
